<compile_context>
chip_gen: v7x
topology: tpu7x:2x2x1
jax: 0.10.2.dev20260603
libtpu: 0.0.44.dev20260713+nightly
codegen_flags: <defaults>
</compile_context>

<pallas_src>
import functools

import jax
import jax.numpy as jnp
from jax import lax
from jax.experimental import pallas as pl
from jax.experimental.pallas import tpu as pltpu
from jax.experimental.pallas import tpu_sc as plsc

_info = plsc.get_sparse_core_info()
_NC, _NS, _L = _info.num_cores, _info.num_subcores, _info.num_lanes
_NW = _NC * _NS

_IDX = 128


def _build(b, s, d):
    chunk = b * s // _NW
    nh = chunk // _IDX
    wpb = s // chunk
    assert chunk * _NW == b * s and nh * _IDX == chunk and wpb * chunk == s
    mesh = plsc.VectorSubcoreMesh(core_axis_name="c", subcore_axis_name="s")

    @functools.partial(
        pl.kernel,
        mesh=mesh,
        out_type=jax.ShapeDtypeStruct((b, s, d), jnp.float32),
        scratch_types=[
            pltpu.VMEM((nh, _IDX), jnp.int32),
            pltpu.VMEM((nh, _IDX, d), jnp.float32),
            pltpu.SemaphoreType.DMA((nh,)),
            pltpu.SemaphoreType.DMA((nh,)),
            pltpu.SemaphoreType.DMA((nh,)),
            pltpu.SemaphoreType.DMA((nh,)),
        ],
    )
    def k(x_hbm, table_hbm, pos_hbm, out_hbm, idx_v, rows_v,
          sem_p, sem_i, sem_g, sem_w):
        wid = lax.axis_index("s") * _NC + lax.axis_index("c")
        bi = wid // wpb
        p0 = (wid % wpb) * chunk
        pos_cps = [
            pltpu.async_copy(
                pos_hbm.at[0, pl.ds(p0 + h * _IDX, _IDX)], rows_v.at[h],
                sem_p.at[h],
            )
            for h in range(nh)
        ]
        i_cps = [
            pltpu.async_copy(
                x_hbm.at[bi, pl.ds(p0 + h * _IDX, _IDX)], idx_v.at[h],
                sem_i.at[h],
            )
            for h in range(nh)
        ]
        g_cps = []
        for h in range(nh):
            pos_cps[h].wait()
            i_cps[h].wait()
            g_cps.append(
                pltpu.async_copy(
                    table_hbm.at[idx_v.at[h]], rows_v.at[h], sem_g.at[h],
                    add=True,
                )
            )
        w_cps = []
        for h in range(nh):
            g_cps[h].wait()
            w_cps.append(
                pltpu.async_copy(
                    rows_v.at[h], out_hbm.at[bi, pl.ds(p0 + h * _IDX, _IDX)],
                    sem_w.at[h],
                )
            )
        for cp in w_cps:
            cp.wait()

    return k


def kernel(X, token_table, pos_embed):
    b, s = X.shape
    vocab, d = token_table.shape
    return _build(b, s, d)(X.astype(jnp.int32), token_table, pos_embed)

# --- scband reference (transcript-rebuilt; emitter-appended) ---
"""Pipeline reference for scband-gptembedding-17901423690552 (READ-ONLY COPY).

The authoritative reference and input builder live on the scoring server;
editing this copy changes nothing except your own understanding.
"""

import jax, jax.numpy as jnp
import numpy as np

VOCAB = 100000
EMBED_DIM = 128
MAX_LEN = 2048
BATCH = 4
SEQ = 2048

def setup_inputs(seed: int = 0) -> dict:
    key = jax.random.key(seed)
    k1, k2, k3 = jax.random.split(key, 3)
    X = jax.random.randint(k1, (BATCH, SEQ), 0, VOCAB, dtype=jnp.int64 if jax.config.jax_enable_x64 else jnp.int32)
    token_table = jax.random.normal(k2, (VOCAB, EMBED_DIM), dtype=jnp.float32) * 0.02
    pos_embed = jax.random.normal(k3, (1, MAX_LEN, EMBED_DIM), dtype=jnp.float32) * 0.02
    return {"X": X, "token_table": token_table, "pos_embed": pos_embed}

def reference(X, token_table, pos_embed):
    # token embedding lookup (gather) + positional embedding slice
    tok = jnp.take(token_table, X, axis=0)  # [B, S, D]
    out = tok + pos_embed[:, : X.shape[1], :]
    return out

if __name__ == "__main__":
    import jax
    _d = setup_inputs()
    print(jax.jit(kernel)(*tuple(_d.values())))

</pallas_src>

<mosaic_0001>
#map = affine_map<(d0, d1) -> (0, 0)>
#map1 = affine_map<(d0, d1) -> (0, 0, 0)>
module attributes {stable_mosaic.version = 14 : i64} {
  func.func @k(%arg0: i32, %arg1: i32, %arg2: memref<4x2048xi32, #tpu.memory_space<hbm>>, %arg3: memref<100000x128xf32, #tpu.memory_space<hbm>>, %arg4: memref<1x2048x128xf32, #tpu.memory_space<hbm>>, %arg5: memref<4x2048x128xf32, #tpu.memory_space<hbm>>, %arg6: memref<2x128xi32, #tpu.memory_space<vmem>>, %arg7: memref<2x128x128xf32, #tpu.memory_space<vmem>>, %arg8: memref<2x!tpu.dma_semaphore, #tpu.memory_space<semaphore_mem>>, %arg9: memref<2x!tpu.dma_semaphore, #tpu.memory_space<semaphore_mem>>, %arg10: memref<2x!tpu.dma_semaphore, #tpu.memory_space<semaphore_mem>>, %arg11: memref<2x!tpu.dma_semaphore, #tpu.memory_space<semaphore_mem>>) attributes {dimension_semantics = [#tpu.dimension_semantics<core_parallel>, #tpu.dimension_semantics<subcore_parallel>], iteration_bounds = array<i64: 2, 16>, scalar_prefetch = 0 : i64, scratch_operands = 6 : i64, tpu.core_type = #tpu.core_type<sc_vector_subcore>, window_params = [{transform_indices = #map}, {transform_indices = #map}, {transform_indices = #map1}, {transform_indices = #map1}]} {
    %mul3A = arith.constant 2 : i32
    %mul3A_0 = arith.muli %arg1, %mul3A : i32
    %add3A = arith.addi %mul3A_0, %arg0 : i32
    %jit3A = arith.constant 8 : i32
    %div3A = arith.divsi %add3A, %jit3A : i32
    %sign3A = arith.constant 0 : i32
    %sign3A_1 = arith.cmpi sgt, %add3A, %sign3A : i32
    %sign3A_2 = arith.extui %sign3A_1 : i1 to i32
    %sign3A_3 = arith.constant 0 : i32
    %sign3A_4 = arith.cmpi slt, %add3A, %sign3A_3 : i32
    %sign3A_5 = arith.extui %sign3A_4 : i1 to i32
    %sign3A_6 = arith.subi %sign3A_2, %sign3A_5 : i32
    %sign3A_7 = arith.constant 0 : i32
    %sign3A_8 = arith.cmpi sgt, %jit3A, %sign3A_7 : i32
    %sign3A_9 = arith.extui %sign3A_8 : i1 to i32
    %sign3A_10 = arith.constant 0 : i32
    %sign3A_11 = arith.cmpi slt, %jit3A, %sign3A_10 : i32
    %sign3A_12 = arith.extui %sign3A_11 : i1 to i32
    %sign3A_13 = arith.subi %sign3A_9, %sign3A_12 : i32
    %ne3A = arith.cmpi ne, %sign3A_6, %sign3A_13 : i32
    %rem3A = arith.remsi %add3A, %jit3A : i32
    %ne3A_14 = arith.constant 0 : i32
    %ne3A_15 = arith.cmpi ne, %rem3A, %ne3A_14 : i32
    %and3A = arith.andi %ne3A, %ne3A_15 : i1
    %sub3A = arith.constant 1 : i32
    %sub3A_16 = arith.subi %div3A, %sub3A : i32
    %select_n3A = arith.select %and3A, %sub3A_16, %div3A : i32
    %jit3A_17 = arith.constant 8 : i32
    %eq3A = arith.constant 0 : i32
    %eq3A_18 = arith.cmpi eq, %jit3A_17, %eq3A : i32
    %jit3A_19 = arith.constant 1 : i32
    %select_n3A_20 = arith.select %eq3A_18, %jit3A_19, %jit3A_17 : i32
    %rem3A_21 = arith.remsi %add3A, %select_n3A_20 : i32
    %ne3A_22 = arith.constant 0 : i32
    %ne3A_23 = arith.cmpi ne, %rem3A_21, %ne3A_22 : i32
    %lt3A = arith.constant 0 : i32
    %lt3A_24 = arith.cmpi slt, %rem3A_21, %lt3A : i32
    %lt3A_25 = arith.constant 0 : i32
    %lt3A_26 = arith.cmpi slt, %select_n3A_20, %lt3A_25 : i32
    %ne3A_27 = arith.xori %lt3A_24, %lt3A_26 : i1
    %and3A_28 = arith.andi %ne3A_27, %ne3A_23 : i1
    %add3A_29 = arith.addi %rem3A_21, %select_n3A_20 : i32
    %select_n3A_30 = arith.select %and3A_28, %add3A_29, %rem3A_21 : i32
    %mul3A_31 = arith.constant 256 : i32
    %mul3A_32 = arith.muli %select_n3A_30, %mul3A_31 : i32
    %add3A_33 = arith.constant 0 : i32
    %add3A_34 = arith.addi %mul3A_32, %add3A_33 : i32
    %dma_start3A = arith.constant 0 : i32
    %dma_start3A_35 = arith.constant 0 : i32
    %dma_start3A_36 = arith.constant 0 : i32
    %dma_start3A_37 = arith.constant 0 : i32
    %dma_start3A_38 = arith.constant 0 : i32
    %dma_start3A_39 = tpu.memref_slice %arg7[%dma_start3A_35, %dma_start3A_37, %dma_start3A_38] : memref<2x128x128xf32, #tpu.memory_space<vmem>> -> memref<1x128x128xf32, #tpu.memory_space<vmem>>
    %dma_start3A_40 = tpu.memref_squeeze %dma_start3A_39 : memref<1x128x128xf32, #tpu.memory_space<vmem>> -> memref<128x128xf32, #tpu.memory_space<vmem>>
    %dma_start3A_41 = arith.constant 0 : i32
    %dma_start3A_42 = tpu.memref_slice %arg4[%dma_start3A, %add3A_34, %dma_start3A_41] : memref<1x2048x128xf32, #tpu.memory_space<hbm>> -> memref<1x128x128xf32, #tpu.memory_space<hbm>>
    %dma_start3A_43 = tpu.memref_squeeze %dma_start3A_42 : memref<1x128x128xf32, #tpu.memory_space<hbm>> -> memref<128x128xf32, #tpu.memory_space<hbm>>
    %dma_start3A_44 = tpu.memref_slice %arg8[%dma_start3A_36] : memref<2x!tpu.dma_semaphore, #tpu.memory_space<semaphore_mem>> -> memref<1x!tpu.dma_semaphore, #tpu.memory_space<semaphore_mem>>
    %dma_start3A_45 = tpu.memref_squeeze %dma_start3A_44 : memref<1x!tpu.dma_semaphore, #tpu.memory_space<semaphore_mem>> -> memref<!tpu.dma_semaphore, #tpu.memory_space<semaphore_mem>>
    %dma_start3A_46 = arith.constant 0 : i32
    %dma_start3A_47 = arith.constant 0 : i32
    %dma_start3A_48 = tpu.memref_slice %arg7[%dma_start3A_35, %dma_start3A_46, %dma_start3A_47] : memref<2x128x128xf32, #tpu.memory_space<vmem>> -> memref<1x128x128xf32, #tpu.memory_space<vmem>>
    %dma_start3A_49 = tpu.memref_squeeze %dma_start3A_48 : memref<1x128x128xf32, #tpu.memory_space<vmem>> -> memref<128x128xf32, #tpu.memory_space<vmem>>
    %dma_start3A_50 = arith.constant 0 : i32
    %dma_start3A_51 = tpu.memref_slice %arg4[%dma_start3A, %add3A_34, %dma_start3A_50] : memref<1x2048x128xf32, #tpu.memory_space<hbm>> -> memref<1x128x128xf32, #tpu.memory_space<hbm>>
    %dma_start3A_52 = tpu.memref_squeeze %dma_start3A_51 : memref<1x128x128xf32, #tpu.memory_space<hbm>> -> memref<128x128xf32, #tpu.memory_space<hbm>>
    tpu.enqueue_dma source(%dma_start3A_52 : memref<128x128xf32, #tpu.memory_space<hbm>>) target(%dma_start3A_49 : memref<128x128xf32, #tpu.memory_space<vmem>>) target_semaphore(%dma_start3A_45 : memref<!tpu.dma_semaphore, #tpu.memory_space<semaphore_mem>>)
    %add3A_53 = arith.constant 128 : i32
    %add3A_54 = arith.addi %mul3A_32, %add3A_53 : i32
    %dma_start3A_55 = arith.constant 0 : i32
    %dma_start3A_56 = arith.constant 1 : i32
    %dma_start3A_57 = arith.constant 1 : i32
    %dma_start3A_58 = arith.constant 0 : i32
    %dma_start3A_59 = arith.constant 0 : i32
    %dma_start3A_60 = tpu.memref_slice %arg7[%dma_start3A_56, %dma_start3A_58, %dma_start3A_59] : memref<2x128x128xf32, #tpu.memory_space<vmem>> -> memref<1x128x128xf32, #tpu.memory_space<vmem>>
    %dma_start3A_61 = tpu.memref_squeeze %dma_start3A_60 : memref<1x128x128xf32, #tpu.memory_space<vmem>> -> memref<128x128xf32, #tpu.memory_space<vmem>>
    %dma_start3A_62 = arith.constant 0 : i32
    %dma_start3A_63 = tpu.memref_slice %arg4[%dma_start3A_55, %add3A_54, %dma_start3A_62] : memref<1x2048x128xf32, #tpu.memory_space<hbm>> -> memref<1x128x128xf32, #tpu.memory_space<hbm>>
    %dma_start3A_64 = tpu.memref_squeeze %dma_start3A_63 : memref<1x128x128xf32, #tpu.memory_space<hbm>> -> memref<128x128xf32, #tpu.memory_space<hbm>>
    %dma_start3A_65 = tpu.memref_slice %arg8[%dma_start3A_57] : memref<2x!tpu.dma_semaphore, #tpu.memory_space<semaphore_mem>> -> memref<1x!tpu.dma_semaphore, #tpu.memory_space<semaphore_mem>>
    %dma_start3A_66 = tpu.memref_squeeze %dma_start3A_65 : memref<1x!tpu.dma_semaphore, #tpu.memory_space<semaphore_mem>> -> memref<!tpu.dma_semaphore, #tpu.memory_space<semaphore_mem>>
    %dma_start3A_67 = arith.constant 0 : i32
    %dma_start3A_68 = arith.constant 0 : i32
    %dma_start3A_69 = tpu.memref_slice %arg7[%dma_start3A_56, %dma_start3A_67, %dma_start3A_68] : memref<2x128x128xf32, #tpu.memory_space<vmem>> -> memref<1x128x128xf32, #tpu.memory_space<vmem>>
    %dma_start3A_70 = tpu.memref_squeeze %dma_start3A_69 : memref<1x128x128xf32, #tpu.memory_space<vmem>> -> memref<128x128xf32, #tpu.memory_space<vmem>>
    %dma_start3A_71 = arith.constant 0 : i32
    %dma_start3A_72 = tpu.memref_slice %arg4[%dma_start3A_55, %add3A_54, %dma_start3A_71] : memref<1x2048x128xf32, #tpu.memory_space<hbm>> -> memref<1x128x128xf32, #tpu.memory_space<hbm>>
    %dma_start3A_73 = tpu.memref_squeeze %dma_start3A_72 : memref<1x128x128xf32, #tpu.memory_space<hbm>> -> memref<128x128xf32, #tpu.memory_space<hbm>>
    tpu.enqueue_dma source(%dma_start3A_73 : memref<128x128xf32, #tpu.memory_space<hbm>>) target(%dma_start3A_70 : memref<128x128xf32, #tpu.memory_space<vmem>>) target_semaphore(%dma_start3A_66 : memref<!tpu.dma_semaphore, #tpu.memory_space<semaphore_mem>>)
    %add3A_74 = arith.constant 0 : i32
    %add3A_75 = arith.addi %mul3A_32, %add3A_74 : i32
    %dma_start3A_76 = arith.constant 0 : i32
    %dma_start3A_77 = arith.constant 0 : i32
    %dma_start3A_78 = arith.constant 0 : i32
    %dma_start3A_79 = tpu.memref_slice %arg6[%dma_start3A_76, %dma_start3A_78] : memref<2x128xi32, #tpu.memory_space<vmem>> -> memref<1x128xi32, #tpu.memory_space<vmem>>
    %dma_start3A_80 = tpu.memref_squeeze %dma_start3A_79 : memref<1x128xi32, #tpu.memory_space<vmem>> -> memref<128xi32, #tpu.memory_space<vmem>>
    %dma_start3A_81 = tpu.memref_slice %arg2[%select_n3A, %add3A_75] : memref<4x2048xi32, #tpu.memory_space<hbm>> -> memref<1x128xi32, #tpu.memory_space<hbm>>
    %dma_start3A_82 = tpu.memref_squeeze %dma_start3A_81 : memref<1x128xi32, #tpu.memory_space<hbm>> -> memref<128xi32, #tpu.memory_space<hbm>>
    %dma_start3A_83 = tpu.memref_slice %arg9[%dma_start3A_77] : memref<2x!tpu.dma_semaphore, #tpu.memory_space<semaphore_mem>> -> memref<1x!tpu.dma_semaphore, #tpu.memory_space<semaphore_mem>>
    %dma_start3A_84 = tpu.memref_squeeze %dma_start3A_83 : memref<1x!tpu.dma_semaphore, #tpu.memory_space<semaphore_mem>> -> memref<!tpu.dma_semaphore, #tpu.memory_space<semaphore_mem>>
    %dma_start3A_85 = arith.constant 0 : i32
    %dma_start3A_86 = tpu.memref_slice %arg6[%dma_start3A_76, %dma_start3A_85] : memref<2x128xi32, #tpu.memory_space<vmem>> -> memref<1x128xi32, #tpu.memory_space<vmem>>
    %dma_start3A_87 = tpu.memref_squeeze %dma_start3A_86 : memref<1x128xi32, #tpu.memory_space<vmem>> -> memref<128xi32, #tpu.memory_space<vmem>>
    %dma_start3A_88 = tpu.memref_slice %arg2[%select_n3A, %add3A_75] : memref<4x2048xi32, #tpu.memory_space<hbm>> -> memref<1x128xi32, #tpu.memory_space<hbm>>
    %dma_start3A_89 = tpu.memref_squeeze %dma_start3A_88 : memref<1x128xi32, #tpu.memory_space<hbm>> -> memref<128xi32, #tpu.memory_space<hbm>>
    tpu.enqueue_dma source(%dma_start3A_89 : memref<128xi32, #tpu.memory_space<hbm>>) target(%dma_start3A_87 : memref<128xi32, #tpu.memory_space<vmem>>) target_semaphore(%dma_start3A_84 : memref<!tpu.dma_semaphore, #tpu.memory_space<semaphore_mem>>)
    %add3A_90 = arith.constant 128 : i32
    %add3A_91 = arith.addi %mul3A_32, %add3A_90 : i32
    %dma_start3A_92 = arith.constant 1 : i32
    %dma_start3A_93 = arith.constant 1 : i32
    %dma_start3A_94 = arith.constant 0 : i32
    %dma_start3A_95 = tpu.memref_slice %arg6[%dma_start3A_92, %dma_start3A_94] : memref<2x128xi32, #tpu.memory_space<vmem>> -> memref<1x128xi32, #tpu.memory_space<vmem>>
    %dma_start3A_96 = tpu.memref_squeeze %dma_start3A_95 : memref<1x128xi32, #tpu.memory_space<vmem>> -> memref<128xi32, #tpu.memory_space<vmem>>
    %dma_start3A_97 = tpu.memref_slice %arg2[%select_n3A, %add3A_91] : memref<4x2048xi32, #tpu.memory_space<hbm>> -> memref<1x128xi32, #tpu.memory_space<hbm>>
    %dma_start3A_98 = tpu.memref_squeeze %dma_start3A_97 : memref<1x128xi32, #tpu.memory_space<hbm>> -> memref<128xi32, #tpu.memory_space<hbm>>
    %dma_start3A_99 = tpu.memref_slice %arg9[%dma_start3A_93] : memref<2x!tpu.dma_semaphore, #tpu.memory_space<semaphore_mem>> -> memref<1x!tpu.dma_semaphore, #tpu.memory_space<semaphore_mem>>
    %dma_start3A_100 = tpu.memref_squeeze %dma_start3A_99 : memref<1x!tpu.dma_semaphore, #tpu.memory_space<semaphore_mem>> -> memref<!tpu.dma_semaphore, #tpu.memory_space<semaphore_mem>>
    %dma_start3A_101 = arith.constant 0 : i32
    %dma_start3A_102 = tpu.memref_slice %arg6[%dma_start3A_92, %dma_start3A_101] : memref<2x128xi32, #tpu.memory_space<vmem>> -> memref<1x128xi32, #tpu.memory_space<vmem>>
    %dma_start3A_103 = tpu.memref_squeeze %dma_start3A_102 : memref<1x128xi32, #tpu.memory_space<vmem>> -> memref<128xi32, #tpu.memory_space<vmem>>
    %dma_start3A_104 = tpu.memref_slice %arg2[%select_n3A, %add3A_91] : memref<4x2048xi32, #tpu.memory_space<hbm>> -> memref<1x128xi32, #tpu.memory_space<hbm>>
    %dma_start3A_105 = tpu.memref_squeeze %dma_start3A_104 : memref<1x128xi32, #tpu.memory_space<hbm>> -> memref<128xi32, #tpu.memory_space<hbm>>
    tpu.enqueue_dma source(%dma_start3A_105 : memref<128xi32, #tpu.memory_space<hbm>>) target(%dma_start3A_103 : memref<128xi32, #tpu.memory_space<vmem>>) target_semaphore(%dma_start3A_100 : memref<!tpu.dma_semaphore, #tpu.memory_space<semaphore_mem>>)
    %dma_wait3A = arith.constant 0 : i32
    %dma_wait3A_106 = arith.constant 0 : i32
    %dma_wait3A_107 = arith.constant 0 : i32
    %dma_wait3A_108 = arith.constant 0 : i32
    %dma_wait3A_109 = arith.constant 0 : i32
    %dma_wait3A_110 = tpu.memref_slice %arg7[%dma_wait3A_106, %dma_wait3A_108, %dma_wait3A_109] : memref<2x128x128xf32, #tpu.memory_space<vmem>> -> memref<1x128x128xf32, #tpu.memory_space<vmem>>
    %dma_wait3A_111 = tpu.memref_squeeze %dma_wait3A_110 : memref<1x128x128xf32, #tpu.memory_space<vmem>> -> memref<128x128xf32, #tpu.memory_space<vmem>>
    %dma_wait3A_112 = arith.constant 0 : i32
    %dma_wait3A_113 = tpu.memref_slice %arg4[%dma_wait3A, %add3A_34, %dma_wait3A_112] : memref<1x2048x128xf32, #tpu.memory_space<hbm>> -> memref<1x128x128xf32, #tpu.memory_space<hbm>>
    %dma_wait3A_114 = tpu.memref_squeeze %dma_wait3A_113 : memref<1x128x128xf32, #tpu.memory_space<hbm>> -> memref<128x128xf32, #tpu.memory_space<hbm>>
    %dma_wait3A_115 = tpu.memref_slice %arg8[%dma_wait3A_107] : memref<2x!tpu.dma_semaphore, #tpu.memory_space<semaphore_mem>> -> memref<1x!tpu.dma_semaphore, #tpu.memory_space<semaphore_mem>>
    %dma_wait3A_116 = tpu.memref_squeeze %dma_wait3A_115 : memref<1x!tpu.dma_semaphore, #tpu.memory_space<semaphore_mem>> -> memref<!tpu.dma_semaphore, #tpu.memory_space<semaphore_mem>>
    %dma_wait3A_117 = arith.constant 0 : i32
    %dma_wait3A_118 = arith.constant 0 : i32
    %dma_wait3A_119 = tpu.memref_slice %arg7[%dma_wait3A_106, %dma_wait3A_117, %dma_wait3A_118] : memref<2x128x128xf32, #tpu.memory_space<vmem>> -> memref<1x128x128xf32, #tpu.memory_space<vmem>>
    %dma_wait3A_120 = tpu.memref_squeeze %dma_wait3A_119 : memref<1x128x128xf32, #tpu.memory_space<vmem>> -> memref<128x128xf32, #tpu.memory_space<vmem>>
    %dma_wait3A_121 = arith.constant 0 : i32
    %dma_wait3A_122 = tpu.memref_slice %arg4[%dma_wait3A, %add3A_34, %dma_wait3A_121] : memref<1x2048x128xf32, #tpu.memory_space<hbm>> -> memref<1x128x128xf32, #tpu.memory_space<hbm>>
    %dma_wait3A_123 = tpu.memref_squeeze %dma_wait3A_122 : memref<1x128x128xf32, #tpu.memory_space<hbm>> -> memref<128x128xf32, #tpu.memory_space<hbm>>
    tpu.wait_dma2 semaphore(%dma_wait3A_116 : memref<!tpu.dma_semaphore, #tpu.memory_space<semaphore_mem>>) src(%dma_wait3A_123 : memref<128x128xf32, #tpu.memory_space<hbm>>) dst(%dma_wait3A_120 : memref<128x128xf32, #tpu.memory_space<vmem>>)
    %dma_wait3A_124 = arith.constant 0 : i32
    %dma_wait3A_125 = arith.constant 0 : i32
    %dma_wait3A_126 = arith.constant 0 : i32
    %dma_wait3A_127 = tpu.memref_slice %arg6[%dma_wait3A_124, %dma_wait3A_126] : memref<2x128xi32, #tpu.memory_space<vmem>> -> memref<1x128xi32, #tpu.memory_space<vmem>>
    %dma_wait3A_128 = tpu.memref_squeeze %dma_wait3A_127 : memref<1x128xi32, #tpu.memory_space<vmem>> -> memref<128xi32, #tpu.memory_space<vmem>>
    %dma_wait3A_129 = tpu.memref_slice %arg2[%select_n3A, %add3A_75] : memref<4x2048xi32, #tpu.memory_space<hbm>> -> memref<1x128xi32, #tpu.memory_space<hbm>>
    %dma_wait3A_130 = tpu.memref_squeeze %dma_wait3A_129 : memref<1x128xi32, #tpu.memory_space<hbm>> -> memref<128xi32, #tpu.memory_space<hbm>>
    %dma_wait3A_131 = tpu.memref_slice %arg9[%dma_wait3A_125] : memref<2x!tpu.dma_semaphore, #tpu.memory_space<semaphore_mem>> -> memref<1x!tpu.dma_semaphore, #tpu.memory_space<semaphore_mem>>
    %dma_wait3A_132 = tpu.memref_squeeze %dma_wait3A_131 : memref<1x!tpu.dma_semaphore, #tpu.memory_space<semaphore_mem>> -> memref<!tpu.dma_semaphore, #tpu.memory_space<semaphore_mem>>
    %dma_wait3A_133 = arith.constant 0 : i32
    %dma_wait3A_134 = tpu.memref_slice %arg6[%dma_wait3A_124, %dma_wait3A_133] : memref<2x128xi32, #tpu.memory_space<vmem>> -> memref<1x128xi32, #tpu.memory_space<vmem>>
    %dma_wait3A_135 = tpu.memref_squeeze %dma_wait3A_134 : memref<1x128xi32, #tpu.memory_space<vmem>> -> memref<128xi32, #tpu.memory_space<vmem>>
    %dma_wait3A_136 = tpu.memref_slice %arg2[%select_n3A, %add3A_75] : memref<4x2048xi32, #tpu.memory_space<hbm>> -> memref<1x128xi32, #tpu.memory_space<hbm>>
    %dma_wait3A_137 = tpu.memref_squeeze %dma_wait3A_136 : memref<1x128xi32, #tpu.memory_space<hbm>> -> memref<128xi32, #tpu.memory_space<hbm>>
    tpu.wait_dma2 semaphore(%dma_wait3A_132 : memref<!tpu.dma_semaphore, #tpu.memory_space<semaphore_mem>>) src(%dma_wait3A_137 : memref<128xi32, #tpu.memory_space<hbm>>) dst(%dma_wait3A_135 : memref<128xi32, #tpu.memory_space<vmem>>)
    %dma_start3A_138 = arith.constant 0 : i32
    %dma_start3A_139 = arith.constant 0 : i32
    %dma_start3A_140 = arith.constant 0 : i32
    %dma_start3A_141 = arith.constant 0 : i32
    %dma_start3A_142 = arith.constant 0 : i32
    %dma_start3A_143 = tpu.memref_slice %arg7[%dma_start3A_139, %dma_start3A_141, %dma_start3A_142] : memref<2x128x128xf32, #tpu.memory_space<vmem>> -> memref<1x128x128xf32, #tpu.memory_space<vmem>>
    %dma_start3A_144 = tpu.memref_squeeze %dma_start3A_143 : memref<1x128x128xf32, #tpu.memory_space<vmem>> -> memref<128x128xf32, #tpu.memory_space<vmem>>
    %dma_start3A_145 = arith.constant 0 : i32
    %dma_start3A_146 = tpu.memref_slice %arg6[%dma_start3A_138, %dma_start3A_145] : memref<2x128xi32, #tpu.memory_space<vmem>> -> memref<1x128xi32, #tpu.memory_space<vmem>>
    %dma_start3A_147 = tpu.memref_squeeze %dma_start3A_146 : memref<1x128xi32, #tpu.memory_space<vmem>> -> memref<128xi32, #tpu.memory_space<vmem>>
    %dma_start3A_148 = arith.constant 0 : i32
    %dma_start3A_149 = arith.constant 0 : i32
    %dma_start3A_150 = tpu.memref_slice %arg3[%dma_start3A_148, %dma_start3A_149] : memref<100000x128xf32, #tpu.memory_space<hbm>> -> memref<100000x128xf32, #tpu.memory_space<hbm>>
    %dma_start3A_151 = tpu.memref_slice %arg10[%dma_start3A_140] : memref<2x!tpu.dma_semaphore, #tpu.memory_space<semaphore_mem>> -> memref<1x!tpu.dma_semaphore, #tpu.memory_space<semaphore_mem>>
    %dma_start3A_152 = tpu.memref_squeeze %dma_start3A_151 : memref<1x!tpu.dma_semaphore, #tpu.memory_space<semaphore_mem>> -> memref<!tpu.dma_semaphore, #tpu.memory_space<semaphore_mem>>
    tpu.enqueue_indirect_dma source(%dma_start3A_150 : memref<100000x128xf32, #tpu.memory_space<hbm>>) target(%dma_start3A_144 : memref<128x128xf32, #tpu.memory_space<vmem>>) offsets(%dma_start3A_147 : memref<128xi32, #tpu.memory_space<vmem>>) semaphore(%dma_start3A_152 : memref<!tpu.dma_semaphore, #tpu.memory_space<semaphore_mem>>) {add = true}
    %dma_wait3A_153 = arith.constant 0 : i32
    %dma_wait3A_154 = arith.constant 1 : i32
    %dma_wait3A_155 = arith.constant 1 : i32
    %dma_wait3A_156 = arith.constant 0 : i32
    %dma_wait3A_157 = arith.constant 0 : i32
    %dma_wait3A_158 = tpu.memref_slice %arg7[%dma_wait3A_154, %dma_wait3A_156, %dma_wait3A_157] : memref<2x128x128xf32, #tpu.memory_space<vmem>> -> memref<1x128x128xf32, #tpu.memory_space<vmem>>
    %dma_wait3A_159 = tpu.memref_squeeze %dma_wait3A_158 : memref<1x128x128xf32, #tpu.memory_space<vmem>> -> memref<128x128xf32, #tpu.memory_space<vmem>>
    %dma_wait3A_160 = arith.constant 0 : i32
    %dma_wait3A_161 = tpu.memref_slice %arg4[%dma_wait3A_153, %add3A_54, %dma_wait3A_160] : memref<1x2048x128xf32, #tpu.memory_space<hbm>> -> memref<1x128x128xf32, #tpu.memory_space<hbm>>
    %dma_wait3A_162 = tpu.memref_squeeze %dma_wait3A_161 : memref<1x128x128xf32, #tpu.memory_space<hbm>> -> memref<128x128xf32, #tpu.memory_space<hbm>>
    %dma_wait3A_163 = tpu.memref_slice %arg8[%dma_wait3A_155] : memref<2x!tpu.dma_semaphore, #tpu.memory_space<semaphore_mem>> -> memref<1x!tpu.dma_semaphore, #tpu.memory_space<semaphore_mem>>
    %dma_wait3A_164 = tpu.memref_squeeze %dma_wait3A_163 : memref<1x!tpu.dma_semaphore, #tpu.memory_space<semaphore_mem>> -> memref<!tpu.dma_semaphore, #tpu.memory_space<semaphore_mem>>
    %dma_wait3A_165 = arith.constant 0 : i32
    %dma_wait3A_166 = arith.constant 0 : i32
    %dma_wait3A_167 = tpu.memref_slice %arg7[%dma_wait3A_154, %dma_wait3A_165, %dma_wait3A_166] : memref<2x128x128xf32, #tpu.memory_space<vmem>> -> memref<1x128x128xf32, #tpu.memory_space<vmem>>
    %dma_wait3A_168 = tpu.memref_squeeze %dma_wait3A_167 : memref<1x128x128xf32, #tpu.memory_space<vmem>> -> memref<128x128xf32, #tpu.memory_space<vmem>>
    %dma_wait3A_169 = arith.constant 0 : i32
    %dma_wait3A_170 = tpu.memref_slice %arg4[%dma_wait3A_153, %add3A_54, %dma_wait3A_169] : memref<1x2048x128xf32, #tpu.memory_space<hbm>> -> memref<1x128x128xf32, #tpu.memory_space<hbm>>
    %dma_wait3A_171 = tpu.memref_squeeze %dma_wait3A_170 : memref<1x128x128xf32, #tpu.memory_space<hbm>> -> memref<128x128xf32, #tpu.memory_space<hbm>>
    tpu.wait_dma2 semaphore(%dma_wait3A_164 : memref<!tpu.dma_semaphore, #tpu.memory_space<semaphore_mem>>) src(%dma_wait3A_171 : memref<128x128xf32, #tpu.memory_space<hbm>>) dst(%dma_wait3A_168 : memref<128x128xf32, #tpu.memory_space<vmem>>)
    %dma_wait3A_172 = arith.constant 1 : i32
    %dma_wait3A_173 = arith.constant 1 : i32
    %dma_wait3A_174 = arith.constant 0 : i32
    %dma_wait3A_175 = tpu.memref_slice %arg6[%dma_wait3A_172, %dma_wait3A_174] : memref<2x128xi32, #tpu.memory_space<vmem>> -> memref<1x128xi32, #tpu.memory_space<vmem>>
    %dma_wait3A_176 = tpu.memref_squeeze %dma_wait3A_175 : memref<1x128xi32, #tpu.memory_space<vmem>> -> memref<128xi32, #tpu.memory_space<vmem>>
    %dma_wait3A_177 = tpu.memref_slice %arg2[%select_n3A, %add3A_91] : memref<4x2048xi32, #tpu.memory_space<hbm>> -> memref<1x128xi32, #tpu.memory_space<hbm>>
    %dma_wait3A_178 = tpu.memref_squeeze %dma_wait3A_177 : memref<1x128xi32, #tpu.memory_space<hbm>> -> memref<128xi32, #tpu.memory_space<hbm>>
    %dma_wait3A_179 = tpu.memref_slice %arg9[%dma_wait3A_173] : memref<2x!tpu.dma_semaphore, #tpu.memory_space<semaphore_mem>> -> memref<1x!tpu.dma_semaphore, #tpu.memory_space<semaphore_mem>>
    %dma_wait3A_180 = tpu.memref_squeeze %dma_wait3A_179 : memref<1x!tpu.dma_semaphore, #tpu.memory_space<semaphore_mem>> -> memref<!tpu.dma_semaphore, #tpu.memory_space<semaphore_mem>>
    %dma_wait3A_181 = arith.constant 0 : i32
    %dma_wait3A_182 = tpu.memref_slice %arg6[%dma_wait3A_172, %dma_wait3A_181] : memref<2x128xi32, #tpu.memory_space<vmem>> -> memref<1x128xi32, #tpu.memory_space<vmem>>
    %dma_wait3A_183 = tpu.memref_squeeze %dma_wait3A_182 : memref<1x128xi32, #tpu.memory_space<vmem>> -> memref<128xi32, #tpu.memory_space<vmem>>
    %dma_wait3A_184 = tpu.memref_slice %arg2[%select_n3A, %add3A_91] : memref<4x2048xi32, #tpu.memory_space<hbm>> -> memref<1x128xi32, #tpu.memory_space<hbm>>
    %dma_wait3A_185 = tpu.memref_squeeze %dma_wait3A_184 : memref<1x128xi32, #tpu.memory_space<hbm>> -> memref<128xi32, #tpu.memory_space<hbm>>
    tpu.wait_dma2 semaphore(%dma_wait3A_180 : memref<!tpu.dma_semaphore, #tpu.memory_space<semaphore_mem>>) src(%dma_wait3A_185 : memref<128xi32, #tpu.memory_space<hbm>>) dst(%dma_wait3A_183 : memref<128xi32, #tpu.memory_space<vmem>>)
    %dma_start3A_186 = arith.constant 1 : i32
    %dma_start3A_187 = arith.constant 1 : i32
    %dma_start3A_188 = arith.constant 1 : i32
    %dma_start3A_189 = arith.constant 0 : i32
    %dma_start3A_190 = arith.constant 0 : i32
    %dma_start3A_191 = tpu.memref_slice %arg7[%dma_start3A_187, %dma_start3A_189, %dma_start3A_190] : memref<2x128x128xf32, #tpu.memory_space<vmem>> -> memref<1x128x128xf32, #tpu.memory_space<vmem>>
    %dma_start3A_192 = tpu.memref_squeeze %dma_start3A_191 : memref<1x128x128xf32, #tpu.memory_space<vmem>> -> memref<128x128xf32, #tpu.memory_space<vmem>>
    %dma_start3A_193 = arith.constant 0 : i32
    %dma_start3A_194 = tpu.memref_slice %arg6[%dma_start3A_186, %dma_start3A_193] : memref<2x128xi32, #tpu.memory_space<vmem>> -> memref<1x128xi32, #tpu.memory_space<vmem>>
    %dma_start3A_195 = tpu.memref_squeeze %dma_start3A_194 : memref<1x128xi32, #tpu.memory_space<vmem>> -> memref<128xi32, #tpu.memory_space<vmem>>
    %dma_start3A_196 = arith.constant 0 : i32
    %dma_start3A_197 = arith.constant 0 : i32
    %dma_start3A_198 = tpu.memref_slice %arg3[%dma_start3A_196, %dma_start3A_197] : memref<100000x128xf32, #tpu.memory_space<hbm>> -> memref<100000x128xf32, #tpu.memory_space<hbm>>
    %dma_start3A_199 = tpu.memref_slice %arg10[%dma_start3A_188] : memref<2x!tpu.dma_semaphore, #tpu.memory_space<semaphore_mem>> -> memref<1x!tpu.dma_semaphore, #tpu.memory_space<semaphore_mem>>
    %dma_start3A_200 = tpu.memref_squeeze %dma_start3A_199 : memref<1x!tpu.dma_semaphore, #tpu.memory_space<semaphore_mem>> -> memref<!tpu.dma_semaphore, #tpu.memory_space<semaphore_mem>>
    tpu.enqueue_indirect_dma source(%dma_start3A_198 : memref<100000x128xf32, #tpu.memory_space<hbm>>) target(%dma_start3A_192 : memref<128x128xf32, #tpu.memory_space<vmem>>) offsets(%dma_start3A_195 : memref<128xi32, #tpu.memory_space<vmem>>) semaphore(%dma_start3A_200 : memref<!tpu.dma_semaphore, #tpu.memory_space<semaphore_mem>>) {add = true}
    %dma_wait3A_201 = arith.constant 0 : i32
    %dma_wait3A_202 = arith.constant 0 : i32
    %dma_wait3A_203 = arith.constant 0 : i32
    %dma_wait3A_204 = arith.constant 0 : i32
    %dma_wait3A_205 = arith.constant 0 : i32
    %dma_wait3A_206 = tpu.memref_slice %arg7[%dma_wait3A_202, %dma_wait3A_204, %dma_wait3A_205] : memref<2x128x128xf32, #tpu.memory_space<vmem>> -> memref<1x128x128xf32, #tpu.memory_space<vmem>>
    %dma_wait3A_207 = tpu.memref_squeeze %dma_wait3A_206 : memref<1x128x128xf32, #tpu.memory_space<vmem>> -> memref<128x128xf32, #tpu.memory_space<vmem>>
    %dma_wait3A_208 = arith.constant 0 : i32
    %dma_wait3A_209 = tpu.memref_slice %arg6[%dma_wait3A_201, %dma_wait3A_208] : memref<2x128xi32, #tpu.memory_space<vmem>> -> memref<1x128xi32, #tpu.memory_space<vmem>>
    %dma_wait3A_210 = tpu.memref_squeeze %dma_wait3A_209 : memref<1x128xi32, #tpu.memory_space<vmem>> -> memref<128xi32, #tpu.memory_space<vmem>>
    %dma_wait3A_211 = arith.constant 0 : i32
    %dma_wait3A_212 = arith.constant 0 : i32
    %dma_wait3A_213 = tpu.memref_slice %arg3[%dma_wait3A_211, %dma_wait3A_212] : memref<100000x128xf32, #tpu.memory_space<hbm>> -> memref<100000x128xf32, #tpu.memory_space<hbm>>
    %dma_wait3A_214 = tpu.memref_slice %arg10[%dma_wait3A_203] : memref<2x!tpu.dma_semaphore, #tpu.memory_space<semaphore_mem>> -> memref<1x!tpu.dma_semaphore, #tpu.memory_space<semaphore_mem>>
    %dma_wait3A_215 = tpu.memref_squeeze %dma_wait3A_214 : memref<1x!tpu.dma_semaphore, #tpu.memory_space<semaphore_mem>> -> memref<!tpu.dma_semaphore, #tpu.memory_space<semaphore_mem>>
    tpu.wait_indirect_dma semaphore(%dma_wait3A_215 : memref<!tpu.dma_semaphore, #tpu.memory_space<semaphore_mem>>) src(%dma_wait3A_213 : memref<100000x128xf32, #tpu.memory_space<hbm>>) dst(%dma_wait3A_207 : memref<128x128xf32, #tpu.memory_space<vmem>>)
    %add3A_216 = arith.constant 0 : i32
    %add3A_217 = arith.addi %mul3A_32, %add3A_216 : i32
    %dma_start3A_218 = arith.constant 0 : i32
    %dma_start3A_219 = arith.constant 0 : i32
    %dma_start3A_220 = arith.constant 0 : i32
    %dma_start3A_221 = arith.constant 0 : i32
    %dma_start3A_222 = tpu.memref_slice %arg7[%dma_start3A_218, %dma_start3A_220, %dma_start3A_221] : memref<2x128x128xf32, #tpu.memory_space<vmem>> -> memref<1x128x128xf32, #tpu.memory_space<vmem>>
    %dma_start3A_223 = tpu.memref_squeeze %dma_start3A_222 : memref<1x128x128xf32, #tpu.memory_space<vmem>> -> memref<128x128xf32, #tpu.memory_space<vmem>>
    %dma_start3A_224 = arith.constant 0 : i32
    %dma_start3A_225 = tpu.memref_slice %arg5[%select_n3A, %add3A_217, %dma_start3A_224] : memref<4x2048x128xf32, #tpu.memory_space<hbm>> -> memref<1x128x128xf32, #tpu.memory_space<hbm>>
    %dma_start3A_226 = tpu.memref_squeeze %dma_start3A_225 : memref<1x128x128xf32, #tpu.memory_space<hbm>> -> memref<128x128xf32, #tpu.memory_space<hbm>>
    %dma_start3A_227 = tpu.memref_slice %arg11[%dma_start3A_219] : memref<2x!tpu.dma_semaphore, #tpu.memory_space<semaphore_mem>> -> memref<1x!tpu.dma_semaphore, #tpu.memory_space<semaphore_mem>>
    %dma_start3A_228 = tpu.memref_squeeze %dma_start3A_227 : memref<1x!tpu.dma_semaphore, #tpu.memory_space<semaphore_mem>> -> memref<!tpu.dma_semaphore, #tpu.memory_space<semaphore_mem>>
    %dma_start3A_229 = arith.constant 0 : i32
    %dma_start3A_230 = tpu.memref_slice %arg5[%select_n3A, %add3A_217, %dma_start3A_229] : memref<4x2048x128xf32, #tpu.memory_space<hbm>> -> memref<1x128x128xf32, #tpu.memory_space<hbm>>
    %dma_start3A_231 = tpu.memref_squeeze %dma_start3A_230 : memref<1x128x128xf32, #tpu.memory_space<hbm>> -> memref<128x128xf32, #tpu.memory_space<hbm>>
    %dma_start3A_232 = arith.constant 0 : i32
    %dma_start3A_233 = arith.constant 0 : i32
    %dma_start3A_234 = tpu.memref_slice %arg7[%dma_start3A_218, %dma_start3A_232, %dma_start3A_233] : memref<2x128x128xf32, #tpu.memory_space<vmem>> -> memref<1x128x128xf32, #tpu.memory_space<vmem>>
    %dma_start3A_235 = tpu.memref_squeeze %dma_start3A_234 : memref<1x128x128xf32, #tpu.memory_space<vmem>> -> memref<128x128xf32, #tpu.memory_space<vmem>>
    tpu.enqueue_dma source(%dma_start3A_235 : memref<128x128xf32, #tpu.memory_space<vmem>>) target(%dma_start3A_231 : memref<128x128xf32, #tpu.memory_space<hbm>>) target_semaphore(%dma_start3A_228 : memref<!tpu.dma_semaphore, #tpu.memory_space<semaphore_mem>>)
    %dma_wait3A_236 = arith.constant 1 : i32
    %dma_wait3A_237 = arith.constant 1 : i32
    %dma_wait3A_238 = arith.constant 1 : i32
    %dma_wait3A_239 = arith.constant 0 : i32
    %dma_wait3A_240 = arith.constant 0 : i32
    %dma_wait3A_241 = tpu.memref_slice %arg7[%dma_wait3A_237, %dma_wait3A_239, %dma_wait3A_240] : memref<2x128x128xf32, #tpu.memory_space<vmem>> -> memref<1x128x128xf32, #tpu.memory_space<vmem>>
    %dma_wait3A_242 = tpu.memref_squeeze %dma_wait3A_241 : memref<1x128x128xf32, #tpu.memory_space<vmem>> -> memref<128x128xf32, #tpu.memory_space<vmem>>
    %dma_wait3A_243 = arith.constant 0 : i32
    %dma_wait3A_244 = tpu.memref_slice %arg6[%dma_wait3A_236, %dma_wait3A_243] : memref<2x128xi32, #tpu.memory_space<vmem>> -> memref<1x128xi32, #tpu.memory_space<vmem>>
    %dma_wait3A_245 = tpu.memref_squeeze %dma_wait3A_244 : memref<1x128xi32, #tpu.memory_space<vmem>> -> memref<128xi32, #tpu.memory_space<vmem>>
    %dma_wait3A_246 = arith.constant 0 : i32
    %dma_wait3A_247 = arith.constant 0 : i32
    %dma_wait3A_248 = tpu.memref_slice %arg3[%dma_wait3A_246, %dma_wait3A_247] : memref<100000x128xf32, #tpu.memory_space<hbm>> -> memref<100000x128xf32, #tpu.memory_space<hbm>>
    %dma_wait3A_249 = tpu.memref_slice %arg10[%dma_wait3A_238] : memref<2x!tpu.dma_semaphore, #tpu.memory_space<semaphore_mem>> -> memref<1x!tpu.dma_semaphore, #tpu.memory_space<semaphore_mem>>
    %dma_wait3A_250 = tpu.memref_squeeze %dma_wait3A_249 : memref<1x!tpu.dma_semaphore, #tpu.memory_space<semaphore_mem>> -> memref<!tpu.dma_semaphore, #tpu.memory_space<semaphore_mem>>
    tpu.wait_indirect_dma semaphore(%dma_wait3A_250 : memref<!tpu.dma_semaphore, #tpu.memory_space<semaphore_mem>>) src(%dma_wait3A_248 : memref<100000x128xf32, #tpu.memory_space<hbm>>) dst(%dma_wait3A_242 : memref<128x128xf32, #tpu.memory_space<vmem>>)
    %add3A_251 = arith.constant 128 : i32
    %add3A_252 = arith.addi %mul3A_32, %add3A_251 : i32
    %dma_start3A_253 = arith.constant 1 : i32
    %dma_start3A_254 = arith.constant 1 : i32
    %dma_start3A_255 = arith.constant 0 : i32
    %dma_start3A_256 = arith.constant 0 : i32
    %dma_start3A_257 = tpu.memref_slice %arg7[%dma_start3A_253, %dma_start3A_255, %dma_start3A_256] : memref<2x128x128xf32, #tpu.memory_space<vmem>> -> memref<1x128x128xf32, #tpu.memory_space<vmem>>
    %dma_start3A_258 = tpu.memref_squeeze %dma_start3A_257 : memref<1x128x128xf32, #tpu.memory_space<vmem>> -> memref<128x128xf32, #tpu.memory_space<vmem>>
    %dma_start3A_259 = arith.constant 0 : i32
    %dma_start3A_260 = tpu.memref_slice %arg5[%select_n3A, %add3A_252, %dma_start3A_259] : memref<4x2048x128xf32, #tpu.memory_space<hbm>> -> memref<1x128x128xf32, #tpu.memory_space<hbm>>
    %dma_start3A_261 = tpu.memref_squeeze %dma_start3A_260 : memref<1x128x128xf32, #tpu.memory_space<hbm>> -> memref<128x128xf32, #tpu.memory_space<hbm>>
    %dma_start3A_262 = tpu.memref_slice %arg11[%dma_start3A_254] : memref<2x!tpu.dma_semaphore, #tpu.memory_space<semaphore_mem>> -> memref<1x!tpu.dma_semaphore, #tpu.memory_space<semaphore_mem>>
    %dma_start3A_263 = tpu.memref_squeeze %dma_start3A_262 : memref<1x!tpu.dma_semaphore, #tpu.memory_space<semaphore_mem>> -> memref<!tpu.dma_semaphore, #tpu.memory_space<semaphore_mem>>
    %dma_start3A_264 = arith.constant 0 : i32
    %dma_start3A_265 = tpu.memref_slice %arg5[%select_n3A, %add3A_252, %dma_start3A_264] : memref<4x2048x128xf32, #tpu.memory_space<hbm>> -> memref<1x128x128xf32, #tpu.memory_space<hbm>>
    %dma_start3A_266 = tpu.memref_squeeze %dma_start3A_265 : memref<1x128x128xf32, #tpu.memory_space<hbm>> -> memref<128x128xf32, #tpu.memory_space<hbm>>
    %dma_start3A_267 = arith.constant 0 : i32
    %dma_start3A_268 = arith.constant 0 : i32
    %dma_start3A_269 = tpu.memref_slice %arg7[%dma_start3A_253, %dma_start3A_267, %dma_start3A_268] : memref<2x128x128xf32, #tpu.memory_space<vmem>> -> memref<1x128x128xf32, #tpu.memory_space<vmem>>
    %dma_start3A_270 = tpu.memref_squeeze %dma_start3A_269 : memref<1x128x128xf32, #tpu.memory_space<vmem>> -> memref<128x128xf32, #tpu.memory_space<vmem>>
    tpu.enqueue_dma source(%dma_start3A_270 : memref<128x128xf32, #tpu.memory_space<vmem>>) target(%dma_start3A_266 : memref<128x128xf32, #tpu.memory_space<hbm>>) target_semaphore(%dma_start3A_263 : memref<!tpu.dma_semaphore, #tpu.memory_space<semaphore_mem>>)
    %dma_wait3A_271 = arith.constant 0 : i32
    %dma_wait3A_272 = arith.constant 0 : i32
    %dma_wait3A_273 = arith.constant 0 : i32
    %dma_wait3A_274 = arith.constant 0 : i32
    %dma_wait3A_275 = tpu.memref_slice %arg7[%dma_wait3A_271, %dma_wait3A_273, %dma_wait3A_274] : memref<2x128x128xf32, #tpu.memory_space<vmem>> -> memref<1x128x128xf32, #tpu.memory_space<vmem>>
    %dma_wait3A_276 = tpu.memref_squeeze %dma_wait3A_275 : memref<1x128x128xf32, #tpu.memory_space<vmem>> -> memref<128x128xf32, #tpu.memory_space<vmem>>
    %dma_wait3A_277 = arith.constant 0 : i32
    %dma_wait3A_278 = tpu.memref_slice %arg5[%select_n3A, %add3A_217, %dma_wait3A_277] : memref<4x2048x128xf32, #tpu.memory_space<hbm>> -> memref<1x128x128xf32, #tpu.memory_space<hbm>>
    %dma_wait3A_279 = tpu.memref_squeeze %dma_wait3A_278 : memref<1x128x128xf32, #tpu.memory_space<hbm>> -> memref<128x128xf32, #tpu.memory_space<hbm>>
    %dma_wait3A_280 = tpu.memref_slice %arg11[%dma_wait3A_272] : memref<2x!tpu.dma_semaphore, #tpu.memory_space<semaphore_mem>> -> memref<1x!tpu.dma_semaphore, #tpu.memory_space<semaphore_mem>>
    %dma_wait3A_281 = tpu.memref_squeeze %dma_wait3A_280 : memref<1x!tpu.dma_semaphore, #tpu.memory_space<semaphore_mem>> -> memref<!tpu.dma_semaphore, #tpu.memory_space<semaphore_mem>>
    %dma_wait3A_282 = arith.constant 0 : i32
    %dma_wait3A_283 = tpu.memref_slice %arg5[%select_n3A, %add3A_217, %dma_wait3A_282] : memref<4x2048x128xf32, #tpu.memory_space<hbm>> -> memref<1x128x128xf32, #tpu.memory_space<hbm>>
    %dma_wait3A_284 = tpu.memref_squeeze %dma_wait3A_283 : memref<1x128x128xf32, #tpu.memory_space<hbm>> -> memref<128x128xf32, #tpu.memory_space<hbm>>
    %dma_wait3A_285 = arith.constant 0 : i32
    %dma_wait3A_286 = arith.constant 0 : i32
    %dma_wait3A_287 = tpu.memref_slice %arg7[%dma_wait3A_271, %dma_wait3A_285, %dma_wait3A_286] : memref<2x128x128xf32, #tpu.memory_space<vmem>> -> memref<1x128x128xf32, #tpu.memory_space<vmem>>
    %dma_wait3A_288 = tpu.memref_squeeze %dma_wait3A_287 : memref<1x128x128xf32, #tpu.memory_space<vmem>> -> memref<128x128xf32, #tpu.memory_space<vmem>>
    tpu.wait_dma2 semaphore(%dma_wait3A_281 : memref<!tpu.dma_semaphore, #tpu.memory_space<semaphore_mem>>) src(%dma_wait3A_288 : memref<128x128xf32, #tpu.memory_space<vmem>>) dst(%dma_wait3A_284 : memref<128x128xf32, #tpu.memory_space<hbm>>)
    %dma_wait3A_289 = arith.constant 1 : i32
    %dma_wait3A_290 = arith.constant 1 : i32
    %dma_wait3A_291 = arith.constant 0 : i32
    %dma_wait3A_292 = arith.constant 0 : i32
    %dma_wait3A_293 = tpu.memref_slice %arg7[%dma_wait3A_289, %dma_wait3A_291, %dma_wait3A_292] : memref<2x128x128xf32, #tpu.memory_space<vmem>> -> memref<1x128x128xf32, #tpu.memory_space<vmem>>
    %dma_wait3A_294 = tpu.memref_squeeze %dma_wait3A_293 : memref<1x128x128xf32, #tpu.memory_space<vmem>> -> memref<128x128xf32, #tpu.memory_space<vmem>>
    %dma_wait3A_295 = arith.constant 0 : i32
    %dma_wait3A_296 = tpu.memref_slice %arg5[%select_n3A, %add3A_252, %dma_wait3A_295] : memref<4x2048x128xf32, #tpu.memory_space<hbm>> -> memref<1x128x128xf32, #tpu.memory_space<hbm>>
    %dma_wait3A_297 = tpu.memref_squeeze %dma_wait3A_296 : memref<1x128x128xf32, #tpu.memory_space<hbm>> -> memref<128x128xf32, #tpu.memory_space<hbm>>
    %dma_wait3A_298 = tpu.memref_slice %arg11[%dma_wait3A_290] : memref<2x!tpu.dma_semaphore, #tpu.memory_space<semaphore_mem>> -> memref<1x!tpu.dma_semaphore, #tpu.memory_space<semaphore_mem>>
    %dma_wait3A_299 = tpu.memref_squeeze %dma_wait3A_298 : memref<1x!tpu.dma_semaphore, #tpu.memory_space<semaphore_mem>> -> memref<!tpu.dma_semaphore, #tpu.memory_space<semaphore_mem>>
    %dma_wait3A_300 = arith.constant 0 : i32
    %dma_wait3A_301 = tpu.memref_slice %arg5[%select_n3A, %add3A_252, %dma_wait3A_300] : memref<4x2048x128xf32, #tpu.memory_space<hbm>> -> memref<1x128x128xf32, #tpu.memory_space<hbm>>
    %dma_wait3A_302 = tpu.memref_squeeze %dma_wait3A_301 : memref<1x128x128xf32, #tpu.memory_space<hbm>> -> memref<128x128xf32, #tpu.memory_space<hbm>>
    %dma_wait3A_303 = arith.constant 0 : i32
    %dma_wait3A_304 = arith.constant 0 : i32
    %dma_wait3A_305 = tpu.memref_slice %arg7[%dma_wait3A_289, %dma_wait3A_303, %dma_wait3A_304] : memref<2x128x128xf32, #tpu.memory_space<vmem>> -> memref<1x128x128xf32, #tpu.memory_space<vmem>>
    %dma_wait3A_306 = tpu.memref_squeeze %dma_wait3A_305 : memref<1x128x128xf32, #tpu.memory_space<vmem>> -> memref<128x128xf32, #tpu.memory_space<vmem>>
    tpu.wait_dma2 semaphore(%dma_wait3A_299 : memref<!tpu.dma_semaphore, #tpu.memory_space<semaphore_mem>>) src(%dma_wait3A_306 : memref<128x128xf32, #tpu.memory_space<vmem>>) dst(%dma_wait3A_302 : memref<128x128xf32, #tpu.memory_space<hbm>>)
    return
  }
}

</mosaic_0001>

<sc_bundles>
// kernel: kernel.3.cloned.1.call-start
scs
__scs_entry_jumppad:
0x0: {  	(pc) =	sbr.rel $0x88, $3  }
0x1: {  	(tag) =	ssettag $0x0;
	lr =	simm.s32 $0x1  }
0x2: {  	[smem:$0x3F9E] =	sst lr;
	_ =	strace $0xD0000000  }
0x3: {  	_ = 	snop  }
0x4: {  	_ = 	snop  }
0x5: {  	_ = 	snop  }
0x6: {  	_ = 	snop  }
0x7: {  	_ = 	snop  }
__scs_overlays_trampoline_lowered:
0x8: {  	[smem:$0x3FAD] =	sst s0  }
0x9: {  	[smem:$0x3FAE] =	sst s1  }
0xa: {  	[smem:$0x3FAF] =	sst s2  }
0xb: {  	[smem:$0x3FB0] =	sst s3  }
0xc: {  	[smem:$0x3FB1] =	sst s4  }
0xd: {  	[smem:$0x3FB2] =	sst s5  }
0xe: {  	[smem:$0x3FB3] =	sst s6  }
0xf: {  	[smem:$0x3FB4] =	sst s7  }
0x10: {  	[smem:$0x3FB5] =	sst s8  }
0x11: {  	[smem:$0x3FB6] =	sst s9;
	s0 =	simm.s32 @!p0 $0x0  }
0x12: {  	s1 =	sld [smem:$0x3F9C];
	s0 =	simm.s32 @p0 $0x1  }
0x13: {  	[smem:$0x3FB7] =	sst s0;
	s0 =	simm.s32 @!p1 $0x0  }
0x14: {  	s2 =	sld [smem:$0x3F9B];
	s0 =	simm.s32 @p1 $0x1  }
0x15: {  	[smem:$0x3FB8] =	sst s0;
	s0 =	simm.s32 @!p2 $0x0  }
0x16: {  	s3 =	sld [smem:$0x3FDB];
	s0 =	simm.s32 @p2 $0x1  }
0x17: {  	s4 =	simm.s32 $0x1BF5;
	[smem:$0x3FBA] =	sst s0  }
0x18: {  	s0 =	sld [smem:$0x3F9D];
	_ =	swait.ge [sflag:s4], $0x0  }
0x19: {  	s7 =	sld [smem:$0x3F9E]  }
0x1a: {  	s8 =	sadd.s32 $0xFFFFE003, lr  }
0x1b: {  	s9 =	sadd.s32 $0xFFFFFEF7, lr;
	s5 =	simm.s32 $0xFFFFFFFF;
	p2 =	slt.u32 s8, $0xFFFFF086  }
0x1c: {  	p1 =	slt.u32 s9, $0xF7A;
	s5 =	simm.s32 @!p2 $0x0  }
0x1d: {  	s5 =	simm.s32 @p1 $0x1;
	p0 =	seq.s32 s7, s2  }
0x1e: {  	s7 =	smul.u32 @!p0 $0xF7A, s2;
	p2 =	seq.s32 @!p0 s5, $0x0  }
0x1f: {  	s9 =	smul.u32 $0xF7A, s1;
	s8 =	simm.s32 @!p0 $0x1BF5;
	p2 =	por !p2, p0  }
0x20: {  	[sflag:s8] =	ssyncset.s32 @!p0 $0xFFFFF086;
	s6 =	sadd.s32 @!p0 s3, s7;
	s7 =	simm.s32 @!p0 $0x108  }
0x21: {  	s3 =	sadd.s32 s3, s9;
	s6 =	sadd.s32 @!p0 $0x88, s6;
	s7 =	simm.s32 @p2 $0x1082  }
0x22: {  	[simem:s7], [sflag:s8] =	dma.local @!p0 [hbm:s6], $0xF7A  }
0x23: {  	s9 =	sor.u32 $0xD0000000, s2;
	s6 =	simm.s32 $0x108;
	_ =	swait.ge @!p0 [sflag:s8], $0x0  }
0x24: {  	s3 =	sadd.s32 $0x88, s3;
	s6 =	simm.s32 @!p1 $0x1082;
	[sflag:s4] =	ssyncset.s32 $0xFFFFF086  }
0x25: {  	[simem:s6], [sflag:s4] =	dma.local [hbm:s3], $0xF7A  }
0x26: {  	[smem:$0x3F9E] =	sst s1;
	(tag) =	ssettag s2;
	_ =	strace s9  }
0x27: {  	s1 =	sld [smem:$0x3FAE]  }
0x28: {  	s2 =	sld [smem:$0x3FAF]  }
0x29: {  	s4 =	sld [smem:$0x3FB1]  }
0x2a: {  	p0 =	seq.s32 s5, $0x0;
	s5 =	sld [smem:$0x3FB2]  }
0x2b: {  	s6 =	sld [smem:$0x3FB3]  }
0x2c: {  	s7 =	sld [smem:$0x3FB4]  }
0x2d: {  	s3 =	simm.s32 $0x108;
	s8 =	sld [smem:$0x3FB5]  }
0x2e: {  	s3 =	simm.s32 @!p0 $0x1082;
	s9 =	sld [smem:$0x3FB6]  }
0x2f: {  	lr =	sadd.s32 s0, s3;
	s0 =	sld [smem:$0x3FAD]  }
0x30: {  	s3 =	sld [smem:$0x3FB0]  }
0x31: {  	[smem:$0x3FB9] =	sst s10  }
0x32: {  	s10 =	sld [smem:$0x3FB7];
	_ =	sdelay $0x3  }
0x33: {  	p0 =	seq.s32 s10, $0x1;
	s10 =	sld [smem:$0x3FB9];
	_ =	sdelay $0x3  }
0x34: {  	[smem:$0x3FB9] =	sst s10  }
0x35: {  	s10 =	sld [smem:$0x3FB8];
	_ =	sdelay $0x3  }
0x36: {  	p1 =	seq.s32 s10, $0x1;
	s10 =	sld [smem:$0x3FB9];
	_ =	sdelay $0x3  }
0x37: {  	[smem:$0x3FB9] =	sst s10  }
0x38: {  	s10 =	sld [smem:$0x3FBA]  }
0x39: {  	_ = 	snop;
	(pc) =	sbr.ind lr, $3  }
0x3a: {  	_ = 	snop  }
0x3b: {  	_ = 	snop  }
0x3c: {  	p2 =	seq.s32 s10, $0x1;
	s10 =	sld [smem:$0x3FB9]  }
0x3d: {  	_ =	shalt  }
0x3e: {  	_ =	shalt  }
0x3f: {  	_ =	shalt  }
0x40: {  	_ =	shalt  }
0x41: {  	_ =	shalt  }
0x42: {  	_ =	shalt  }
0x43: {  	_ =	shalt  }
0x44: {  	_ =	shalt  }
0x45: {  	_ =	shalt  }
0x46: {  	_ =	shalt  }
0x47: {  	_ =	shalt  }
0x48: {  	_ =	shalt  }
0x49: {  	_ =	shalt  }
0x4a: {  	_ =	shalt  }
0x4b: {  	_ =	shalt  }
0x4c: {  	_ =	shalt  }
0x4d: {  	_ =	shalt  }
0x4e: {  	_ =	shalt  }
0x4f: {  	_ =	shalt  }
0x50: {  	_ =	shalt  }
0x51: {  	_ =	shalt  }
0x52: {  	_ =	shalt  }
0x53: {  	_ =	shalt  }
0x54: {  	_ =	shalt  }
0x55: {  	_ =	shalt  }
0x56: {  	_ =	shalt  }
0x57: {  	_ =	shalt  }
0x58: {  	_ =	shalt  }
0x59: {  	_ =	shalt  }
0x5a: {  	_ =	shalt  }
0x5b: {  	_ =	shalt  }
0x5c: {  	_ =	shalt  }
0x5d: {  	_ =	shalt  }
0x5e: {  	_ =	shalt  }
0x5f: {  	_ =	shalt  }
0x60: {  	_ =	shalt  }
0x61: {  	_ =	shalt  }
0x62: {  	_ =	shalt  }
0x63: {  	_ =	shalt  }
0x64: {  	_ =	shalt  }
0x65: {  	_ =	shalt  }
0x66: {  	_ =	shalt  }
0x67: {  	_ =	shalt  }
0x68: {  	_ =	shalt  }
0x69: {  	_ =	shalt  }
0x6a: {  	_ =	shalt  }
0x6b: {  	_ =	shalt  }
0x6c: {  	_ =	shalt  }
0x6d: {  	_ =	shalt  }
0x6e: {  	_ =	shalt  }
0x6f: {  	_ =	shalt  }
0x70: {  	_ =	shalt  }
0x71: {  	_ =	shalt  }
0x72: {  	_ =	shalt  }
0x73: {  	_ =	shalt  }
0x74: {  	_ =	shalt  }
0x75: {  	_ =	shalt  }
0x76: {  	_ =	shalt  }
0x77: {  	_ =	shalt  }
0x78: {  	_ =	shalt  }
0x79: {  	_ =	shalt  }
0x7a: {  	_ =	shalt  }
0x7b: {  	_ =	shalt  }
0x7c: {  	_ =	shalt  }
0x7d: {  	_ =	shalt  }
0x7e: {  	_ =	shalt  }
0x7f: {  	_ =	shalt  }
0x80: {  	_ =	shalt  }
0x81: {  	_ =	shalt  }
0x82: {  	_ =	shalt  }
0x83: {  	_ =	shalt  }
0x84: {  	_ =	shalt  }
0x85: {  	_ =	shalt  }
0x86: {  	_ =	shalt  }
0x87: {  	_ =	shalt  }
.Lfunc_end0:
.L_simem_size_0:
called_computation_lowered:
.L_overlay_start_0:
0x88: {  	s2 =	sld [smem:$0x3FD9]  }
0x89: {  	s3 =	sld [smem:$0x3FFE];
	_ =	sdelay $0x1  }
0x8a: {  	s1 =	srdreg.scid  }
0x8b: {  	s0 =	sand.u32 $0x1, s1  }
0x8c: {  	s18 =	sshll.u32 s0, $0xA;
	s2 =	sadd.s32 s3, s2  }
0x8d: {  	s2 =	sadd.s32 s2, s18  }
0x8e: {  	[smem:$0x3FC5] =	sst s2  }
0x8f: {  	_ = 	snop  }
0x90: {  	s2 =	sld [smem:$0x3FC9]  }
0x91: {  	s19 =	sld [smem:$0x3FC8]  }
0x92: {  	s4 =	sld [smem:$0x3FC7]  }
0x93: {  	s5 =	sld [smem:$0x3FD0];
	(tm) =	ssettm $0x1  }
0x94: {  	s6 =	sld [smem:$0x3FFB];
	_ =	sdelay $0x3  }
0x95: {  	_ =	strace s6  }
0x96: {  	s6 =	sld [smem:$0x3FFC];
	_ =	sdelay $0x3  }
0x97: {  	_ =	strace s6  }
0x98: {  	s6 =	sld [smem:$0x3FFD];
	_ =	sdelay $0x3  }
0x99: {  	_ =	strace s6  }
0x9a: {  	_ =	strace $0x8FFFFFFF  }
0x9b: {  	s20 =	sld [smem:$0x3FDB];
	_ =	sdelay $0x1  }
0x9c: {  	s7 =	simm.s32 $_scs_section_size  }
0x9d: {  	s8 =	simm.s32 $_size__tile_overlayer_lowered;
	s9 =	simm.s32 $_tile_overlayer_lowered  }
0x9e: {  	s23 =	simm.s32 $0x1BFF;
	s22 =	sshll.u32 s9, $0x1;
	s6 =	sadd.s32 s7, s20  }
0x9f: {  	s10 =	simm.s32 $0x0;
	s21 =	sshll.u32 s8, $0x1;
	s8 =	sadd.s32 s22, s6  }
0xa0: {  	[timem:s10], [sflag:s23] =	dma.local [hbm:s8], s21  }
0xa1: {  	_ =	swait.ge [sflag:s23], s21  }
0xa2: {  	s7 =	ssub.s32 $0x0, s21;
	[sflag:s23] =	ssyncset.done $0x0  }
0xa3: {  	[sflag:s23] =	ssyncadd.s32 s7;
	_ =	sdelay $0x1  }
0xa4: {  	s24 =	simm.s32 $0x1B8B  }
0xa5: {  	_ =	swait.ge [sflag:s24], $0x1  }
0xa6: {  	[sflag:s24] =	ssyncset.done $0x0  }
0xa7: {  	s25 =	simm.s32 $0x1B8E;
	[sflag:s24] =	ssyncadd.s32 $0xFFFFFFFF  }
0xa8: {  	s26 =	simm.s32 $execute0_lowered;
	[smem:$0x3FD2] =	sst s25  }
0xa9: {  	s7 =	sshll.u32 s26, $0x1;
	_ =	strace $0x80000046;
	[dreg:$0x1] =	wrdreg $0xFFFFFFFF  }
0xaa: {  	s28 =	simm.s32 $_size_execute0_lowered;
	s6 =	sadd.s32 s6, s7;
	[dreg:$0x0] =	wrdreg $0x0  }
0xab: {  	s7 =	sshll.u32 s28, $0x1;
	[dreg:$0x2] =	wrdreg s6  }
0xac: {  	[dreg:$0x3] =	wrdreg s7  }
0xad: {  	[dreg:$0x4] =	wrdreg $0xC0  }
0xae: {  	_ =	task [dreg:s10], $0x5FFFF  }
0xaf: {  	[dreg:$0x1] =	wrdreg $0xFFFFFFFF  }
0xb0: {  	[dreg:$0x0] =	wrdreg $0x60  }
0xb1: {  	[dreg:$0x2] =	wrdreg s2  }
0xb2: {  	[dreg:$0x3] =	wrdreg s19  }
0xb3: {  	[dreg:$0x4] =	wrdreg s4  }
0xb4: {  	[dreg:$0x5] =	wrdreg s5  }
0xb5: {  	[dreg:$0x6] =	wrdreg $0x9  }
0xb6: {  	_ =	task.clear_ibuf [dreg:s10], $0x7FFFF;
	_ =	strace $0x90000046  }
0xb7: {  	s29 =	simm.s32 $0x9;
	_ =	strace $0x80000048  }
0xb8: {  	_ =	swait.ge [sflag:s29], $0x1  }
0xb9: {  	[sflag:s29] =	ssyncadd.s32 $0xFFFFFFFF  }
0xba: {  	_ =	strace $0x90000048  }
0xbb: {  	_ =	sfence  }
0xbc: {  	s30 =	sld [smem:$0x0];
	_ =	sdelay $0x2  }
0xbd: {  	s31 =	sshll.u32 s1, $0xD;
	s1 =	sshrl.u32 s1, $0x2  }
0xbe: {  	s3 =	sand.u32 $0x4000, s31;
	s1 =	sadd.s32 s1, s30  }
0xbf: {  	s0 =	sor.u32 s3, s0;
	s1 =	sshll.u32 s1, $0x11  }
0xc0: {  	s0 =	sor.u32 s1, s0  }
0xc1: {  	s0 =	sadd.s32 $0x8F2B, s0  }
0xc2: {  	[sflag:s0] =	ssyncadd.remote.s32 $0x1  }
0xc3: {  	_ =	sfence.sel $0xFFFF  }
0xc4: {  	[dreg:$0x0] =	wrdreg $0xFFFFFFFF;
	(pc) =	sbr.abs _section_cstart, $3  }
0xc5: {  	[dreg:$0x1] =	wrdreg $0xFFFFFFFF  }
0xc6: {  	_ =	task.clear_ibuf [dreg:s10], $0x2FFFF;
	_ =	strace $0x9FFFFFFF  }
0xc7: {  	(tm) =	ssettm $0x7FFFFFFF  }
tec
execute0_lowered:
.L_overlay_start_1:
0x0: {  	(tag) =	ssettag $0x1  }
0x1: {  	s9 =	rddreg [dreg:$0x0]  }
0x2: {  	s1 =	rddreg [dreg:$0x1];
	s0 =	stileid.u32  }
0x3: {  	s5 =	rddreg [dreg:$0x2];
	s2 =	srdreg.scid  }
0x4: {  	s18 =	rddreg [dreg:$0x3];
	s3 =	sshll.u32 s0, $0x1;
	s19 =	sand.u32 $0x1, s2  }
0x5: {  	s2 =	rddreg [dreg:$0x4];
	s4 =	sand.u32 $0x6, s3;
	s3 =	simm.s32 $0x0  }
0x6: {  	s17 =	sshrl.u32 s0, $0x2;
	s15 =	sor.u32 s19, s4;
	[smem:$0x7FF] =	sst s3  }
0x7: {  	s7 =	sshll.u32 s17, $0x7;
	s4 =	sshll.u32 s15, $0x8;
	_ =	strace $0x80000047  }
0x8: {  	s6 =	sshll.u32 s15, $0xC;
	s25 =	sshll.u32 s15, $0xA;
	s16 =	sor.u32 $0x80, s4  }
0x9: {  	s4 =	sadd.s32 s5, s6;
	s8 =	sor.u32 s7, s25;
	s6 =	simm.s32 $0x100  }
0xa: {  	[tilespmem:s6], [sflag:$0x1] =	stream.linear.gather [hbm4b:s4+s3], $0x4000, $0x38;
	[tilespmem:$0x8100] =	vst v63  }
0xb: {  	s24 =	sshll.u32 s16, $0x4;
	s10 =	sshll.u32 s16, $0x2;
	s8 =	sshrl.u32 s8, $0x3  }
0xc: {  	s5 =	sadd.s32 s5, s24;
	s10 =	sor.u32 s7, s10;
	s7 =	simm.s32 $0x4100  }
0xd: {  	[tilespmem:s7], [sflag:$0x2] =	stream.linear.gather [hbm4b:s5+s3], $0x4000, $0x38;
	[tilespmem:$0x8100] =	vst v63  }
0xe: {  	s8 =	sadd.s32 s9, s8;
	s10 =	sshrl.u32 s10, $0x3  }
0xf: {  	[tilespmem:s3], [sflag:$0x3] =	stream.linear.gather [hbm4b:s8+s3], $0x80, $0x38;
	[tilespmem:$0x8100] =	vst v63  }
0x10: {  	s11 =	simm.s32 $0x1;
	s9 =	sadd.s32 s9, s10;
	s10 =	simm.s32 $0x80  }
0x11: {  	[tilespmem:s10], [sflag:$0x4] =	stream.linear.gather [hbm4b:s9+s3], $0x80, $0x38;
	[tilespmem:$0x8100] =	vst v63  }
0x12: {  	_ =	swait.ge [sflag:s11], $0x4000  }
0x13: {  	[sflag:s11] =	ssyncset.done $0x0  }
0x14: {  	s12 =	simm.s32 $0x3;
	[sflag:s11] =	ssyncadd.s32 $0xFFFFC000  }
0x15: {  	_ =	swait.ge [sflag:s12], $0x80  }
0x16: {  	[sflag:s12] =	ssyncset.done $0x0  }
0x17: {  	s13 =	simm.s32 $0x2;
	[sflag:s12] =	ssyncadd.s32 $0xFFFFFF80  }
0x18: {  	[tilespmem:s6], [sflag:$0x5] =	stream.indirect.gather.add.f32 [hbm:s1], $0x80, s3, s10, $0xb8;
	[tilespmem:$0x8100] =	vst v63  }
0x19: {  	_ =	swait.ge [sflag:s13], $0x4000  }
0x1a: {  	[sflag:s13] =	ssyncset.done $0x0  }
0x1b: {  	s14 =	simm.s32 $0x4;
	[sflag:s13] =	ssyncadd.s32 $0xFFFFC000  }
0x1c: {  	s29 =	ssub.s32 $0x2, s19;
	_ =	swait.ge [sflag:s14], $0x80  }
0x1d: {  	s21 =	sshll.u32 s17, $0x12;
	s31 =	sshrl.u32 s29, $0x1;
	[sflag:s14] =	ssyncset.done $0x0  }
0x1e: {  	s20 =	sshll.u32 s15, $0xF;
	s15 =	simm.s32 $0x5;
	[sflag:s14] =	ssyncadd.s32 $0xFFFFFF80  }
0x1f: {  	[tilespmem:s7], [sflag:$0x6] =	stream.indirect.gather.add.f32 [hbm:s1], $0x80, s10, s10, $0xb8;
	[tilespmem:$0x8100] =	vst v63  }
0x20: {  	s17 =	sor.u32 s21, s20;
	s26 =	sshll.u32 s16, $0x7;
	_ =	swait.ge [sflag:s15], $0x4000  }
0x21: {  	s28 =	sshrl.u32 s17, $0x3;
	s17 =	simm.s32 $0x6;
	[sflag:s15] =	ssyncset.done $0x0  }
0x22: {  	s16 =	sadd.s32 s18, s28;
	s20 =	sor.u32 s21, s26;
	[sflag:s15] =	ssyncadd.s32 $0xFFFFC000  }
0x23: {  	[hbm4b:s16+s3] =	stream.linear.scatter [tilespmem:s6], [sflag:$0x7], $0x4000, $0x38;
	[tilespmem:$0x8100] =	vst v63  }
0x24: {  	s30 =	sshrl.u32 s20, $0x3;
	s20 =	ssub.s32 s29, s31;
	_ =	swait.ge [sflag:s17], $0x4000  }
0x25: {  	s19 =	simm.s32 $0x7;
	s21 =	smax.u32 s20, $0x1;
	[sflag:s17] =	ssyncset.done $0x0  }
0x26: {  	s18 =	sadd.s32 s18, s30;
	p0 =	sne.s32 s21, $0x1;
	[sflag:s17] =	ssyncadd.s32 $0xFFFFC000  }
0x27: {  	[hbm4b:s18+s3] =	stream.linear.scatter [tilespmem:s7], [sflag:$0x8], $0x4000, $0x38;
	[tilespmem:$0x8100] =	vst v63  }
.Ltmp0:
0x28: {  	_ =	swait.ge [sflag:s19], $0x4000;
	(pc) =	sbr.rel @!p0 .LBB2_2-.Ltmp0, $4  }
0x29: {  	[sflag:s19] =	ssyncset.done $0x0  }
0x2a: {  	s20 =	simm.s32 $0x8;
	[sflag:s19] =	ssyncadd.s32 $0xFFFFC000  }
0x2b: {  	_ =	swait.ge [sflag:s20], $0x4000  }
0x2c: {  	s21 =	sadd.s32 $0xFFFFFFFF, s21;
	[sflag:s20] =	ssyncset.done $0x0  }
.LBB2_1:
0x2d: {  	p0 =	sne.s32 s21, $0x1;
	s21 =	sadd.s32 $0xFFFFFFFF, s21;
	[sflag:s20] =	ssyncadd.s32 $0xFFFFC000  }
0x2e: {  	[tilespmem:s6], [sflag:$0x1] =	stream.linear.gather [hbm4b:s4+s3], $0x4000, $0x38;
	[tilespmem:$0x8100] =	vst v63  }
0x2f: {  	_ = 	snop  }
0x30: {  	[tilespmem:s7], [sflag:$0x2] =	stream.linear.gather [hbm4b:s5+s3], $0x4000, $0x38;
	[tilespmem:$0x8100] =	vst v63  }
0x31: {  	_ = 	snop  }
0x32: {  	[tilespmem:s3], [sflag:$0x3] =	stream.linear.gather [hbm4b:s8+s3], $0x80, $0x38;
	[tilespmem:$0x8100] =	vst v63  }
0x33: {  	_ = 	snop  }
0x34: {  	[tilespmem:s10], [sflag:$0x4] =	stream.linear.gather [hbm4b:s9+s3], $0x80, $0x38;
	[tilespmem:$0x8100] =	vst v63  }
0x35: {  	_ =	swait.ge [sflag:s11], $0x4000  }
0x36: {  	[sflag:s11] =	ssyncset.done $0x0  }
0x37: {  	[sflag:s11] =	ssyncadd.s32 $0xFFFFC000  }
0x38: {  	_ =	swait.ge [sflag:s12], $0x80  }
0x39: {  	[sflag:s12] =	ssyncset.done $0x0  }
0x3a: {  	[sflag:s12] =	ssyncadd.s32 $0xFFFFFF80  }
0x3b: {  	[tilespmem:s6], [sflag:$0x5] =	stream.indirect.gather.add.f32 [hbm:s1], $0x80, s3, s10, $0xb8;
	[tilespmem:$0x8100] =	vst v63  }
0x3c: {  	_ =	swait.ge [sflag:s13], $0x4000  }
0x3d: {  	[sflag:s13] =	ssyncset.done $0x0  }
0x3e: {  	[sflag:s13] =	ssyncadd.s32 $0xFFFFC000  }
0x3f: {  	_ =	swait.ge [sflag:s14], $0x80  }
0x40: {  	[sflag:s14] =	ssyncset.done $0x0  }
0x41: {  	[sflag:s14] =	ssyncadd.s32 $0xFFFFFF80  }
0x42: {  	[tilespmem:s7], [sflag:$0x6] =	stream.indirect.gather.add.f32 [hbm:s1], $0x80, s10, s10, $0xb8;
	[tilespmem:$0x8100] =	vst v63  }
0x43: {  	_ =	swait.ge [sflag:s15], $0x4000  }
0x44: {  	[sflag:s15] =	ssyncset.done $0x0  }
0x45: {  	[sflag:s15] =	ssyncadd.s32 $0xFFFFC000  }
0x46: {  	[hbm4b:s16+s3] =	stream.linear.scatter [tilespmem:s6], [sflag:$0x7], $0x4000, $0x38;
	[tilespmem:$0x8100] =	vst v63  }
0x47: {  	_ =	swait.ge [sflag:s17], $0x4000  }
0x48: {  	[sflag:s17] =	ssyncset.done $0x0  }
0x49: {  	[sflag:s17] =	ssyncadd.s32 $0xFFFFC000  }
0x4a: {  	[hbm4b:s18+s3] =	stream.linear.scatter [tilespmem:s7], [sflag:$0x8], $0x4000, $0x38;
	[tilespmem:$0x8100] =	vst v63  }
.Ltmp1:
0x4b: {  	_ =	swait.ge [sflag:s19], $0x4000;
	(pc) =	sbr.rel @p0 .LBB2_1-.Ltmp1, $4  }
0x4c: {  	[sflag:s19] =	ssyncset.done $0x0  }
0x4d: {  	[sflag:s19] =	ssyncadd.s32 $0xFFFFC000  }
0x4e: {  	_ =	swait.ge [sflag:s20], $0x4000  }
0x4f: {  	[sflag:s20] =	ssyncset.done $0x0  }
.LBB2_2:
0x50: {  	[sflag:s20] =	ssyncadd.s32 $0xFFFFC000  }
0x51: {  	_ =	sfence.sel $0x180000  }
0x52: {  	[bflag:$0x0] =	sbarrier.arrive $0xFFFF  }
0x53: {  	p0 =	sne.s32 s0, $0x0;
	_ =	strace $0x90000047  }
0x54: {  	s0 =	sadd.s32 @!p0 $0x100000, s2;
	[bflag:$0x2] =	sbarrier.arrive $0xFFFF  }
0x55: {  	[sflag:s0] =	ssyncadd.tile.s32 @!p0 $0x1;
	_ =	shalt  }
.Lfunc_end2:
_tile_overlayer_lowered:
.L_overlay_start_2:
0x56: {  	(tag) =	ssettag $0x2  }
0x57: {  	s0 =	rddreg [dreg:$0x0];
	s2 =	stileid.u32  }
0x58: {  	s1 =	rddreg [dreg:$0x1];
	p0 =	sne.s32 s2, $0x0  }
0x59: {  	s3 =	rddreg [dreg:$0x2];
	[bflag:$0x3] =	sbarrier.arrive $0xFFFF;
	s2 =	simm.s32 @!p0 $0x1C09  }
0x5a: {  	[timem:s3], [sflag:s2] =	dma.local @!p0 [hbm:s0], s1  }
0x5b: {  	s0 =	simm.s32 @!p0 $0x9  }
0x5c: {  	_ =	swait.ge @!p0 [sflag:s0], s1  }
0x5d: {  	s1 =	ssub.s32 @!p0 $0x0, s1;
	[sflag:s0] =	ssyncset.done @!p0 $0x0  }
0x5e: {  	[sflag:s0] =	ssyncadd.s32 @!p0 s1  }
0x5f: {  	[bflag:$0x3] =	sbarrier.arrive $0xFFFF  }
0x60: {  	_ =	shalt  }

</sc_bundles>
